<compile_context>
chip_gen: v7x
topology: tpu7x:2x2x1
jax: 0.10.2.dev20260603
libtpu: 0.0.44.dev20260713+nightly
codegen_flags: <defaults>
</compile_context>

<pallas_src>
import functools

import jax
import jax.numpy as jnp
from jax import lax
from jax.experimental import pallas as pl
from jax.experimental.pallas import tpu as pltpu
from jax.experimental.pallas import tpu_sc as plsc

NUM_MUSIC = 1000000
NUM_GENRES = 1000
DIM_MUSIC = 128
DIM_GENRE = 16
DIM_AUDIO = 32
BATCH = 16384
DIM_OUT = DIM_MUSIC + DIM_GENRE + DIM_AUDIO

_NC = 2
_NS = 16
_NW = _NC * _NS
_BPW = BATCH // _NW
_CH = 128
_NCHUNK = _BPW // _CH

_mesh = plsc.VectorSubcoreMesh(core_axis_name="c", subcore_axis_name="s")


@functools.partial(
    pl.kernel,
    mesh=_mesh,
    out_type=(
        jax.ShapeDtypeStruct((BATCH, DIM_MUSIC), jnp.float32),
        jax.ShapeDtypeStruct((DIM_GENRE, BATCH), jnp.float32),
    ),
    scratch_types=[
        pltpu.VMEM((_BPW,), jnp.int32),
        pltpu.VMEM((_BPW,), jnp.int32),
        pltpu.VMEM((_BPW, DIM_MUSIC), jnp.float32),
        pltpu.VMEM((DIM_GENRE, _BPW), jnp.float32),
        pltpu.VMEM((DIM_GENRE, NUM_GENRES), jnp.float32),
        pltpu.SemaphoreType.DMA,
        pltpu.SemaphoreType.DMA,
        pltpu.SemaphoreType.DMA,
    ],
    compiler_params=pltpu.CompilerParams(needs_layout_passes=False),
)
def _sc_gather(music_id_hbm, genre_hbm, music_tab_hbm, genre_tabT_hbm,
               m_hbm, gT_hbm, idx_m, idx_g, buf_m, buf_gT, gtab_v,
               semg, semw, semx):
    wid = lax.axis_index("s") * _NC + lax.axis_index("c")
    base = wid * _BPW
    cg = pltpu.async_copy(genre_tabT_hbm, gtab_v, semx)
    ci = pltpu.async_copy(genre_hbm.at[pl.ds(base, _BPW)], idx_g, semx)
    pltpu.sync_copy(music_id_hbm.at[pl.ds(base, _BPW)], idx_m)

    def _fire(k, carry):
        pltpu.async_copy(
            music_tab_hbm.at[idx_m.at[pl.ds(k * _CH, _CH)]],
            buf_m.at[pl.ds(k * _CH, _CH)], semg)
        return carry

    lax.fori_loop(0, _NCHUNK, _fire, 0)
    cg.wait()
    ci.wait()

    def _genre_step(i8, carry):
        gv = idx_g[pl.ds(i8 * 16, 16)]
        for j in range(DIM_GENRE):
            buf_gT[j, pl.ds(i8 * 16, 16)] = plsc.load_gather(
                gtab_v, [jnp.full((16,), j, jnp.int32), gv])
        return carry

    lax.fori_loop(0, _BPW // 16, _genre_step, 0)
    cgT = pltpu.async_copy(buf_gT, gT_hbm.at[:, pl.ds(base, _BPW)], semx)

    def _drain(k, carry):
        pltpu.make_async_copy(
            m_hbm.at[pl.ds(base + k * _CH, _CH)],
            buf_m.at[pl.ds(k * _CH, _CH)], semg).wait()
        pltpu.async_copy(
            buf_m.at[pl.ds(k * _CH, _CH)],
            m_hbm.at[pl.ds(base + k * _CH, _CH)], semw)
        return carry

    lax.fori_loop(0, _NCHUNK, _drain, 0)

    def _drain_w(k, carry):
        pltpu.make_async_copy(
            m_hbm.at[pl.ds(base + k * _CH, _CH)],
            buf_m.at[pl.ds(k * _CH, _CH)], semw).wait()
        return carry

    lax.fori_loop(0, _NCHUNK, _drain_w, 0)
    cgT.wait()


_BM = 8192


def _tc_body(m_ref, gT_ref, aT_ref, w_ref, b_ref, o_ref):
    o_ref[0:DIM_MUSIC, :] = m_ref[...].T
    o_ref[DIM_MUSIC:DIM_MUSIC + DIM_GENRE, :] = gT_ref[...]
    ap_t = lax.dot_general(w_ref[...], aT_ref[...], (((0,), (0,)), ((), ())),
                           preferred_element_type=jnp.float32)
    o_ref[DIM_MUSIC + DIM_GENRE:DIM_OUT, :] = ap_t + b_ref[...]


def _tc_assemble(m, gembT, audioT, w, b2):
    return pl.pallas_call(
        _tc_body,
        grid=(BATCH // _BM,),
        in_specs=[
            pl.BlockSpec((_BM, DIM_MUSIC), lambda i: (i, 0)),
            pl.BlockSpec((DIM_GENRE, _BM), lambda i: (0, i)),
            pl.BlockSpec((DIM_AUDIO, _BM), lambda i: (0, i)),
            pl.BlockSpec((DIM_AUDIO, DIM_AUDIO), lambda i: (0, 0)),
            pl.BlockSpec((DIM_AUDIO, 1), lambda i: (0, 0)),
        ],
        out_specs=pl.BlockSpec((DIM_OUT, _BM), lambda i: (0, i)),
        out_shape=jax.ShapeDtypeStruct((DIM_OUT, BATCH), jnp.float32),
    )(m, gembT, audioT, w, b2)


def kernel(music_id, genre, audio_features, music_table, genre_table,
           dense_w, dense_b):
    m, gembT = _sc_gather(
        jnp.asarray(music_id, jnp.int32),
        jnp.asarray(genre, jnp.int32),
        music_table,
        genre_table.T,
    )
    out_t = _tc_assemble(m, gembT, audio_features.T, dense_w,
                         dense_b.reshape(DIM_AUDIO, 1))
    return out_t.T

# --- scband reference (transcript-rebuilt; emitter-appended) ---
"""Pipeline reference for scband-item-model-13649406066992 (READ-ONLY COPY).

The authoritative reference and input builder live on the scoring server;
editing this copy changes nothing except your own understanding.
"""

import jax, jax.numpy as jnp
import numpy as np

NUM_MUSIC = 1000000
NUM_GENRES = 1000
DIM_MUSIC = 128
DIM_GENRE = 16
DIM_AUDIO = 32
BATCH = 16384


def setup_inputs(seed: int = 0) -> dict:
    key = jax.random.key(seed)
    k1, k2, k3, k4, k5, k6 = jax.random.split(key, 6)
    music_id = jax.random.randint(k1, (BATCH,), 0, NUM_MUSIC, dtype=jnp.int64 if jax.config.jax_enable_x64 else jnp.int32)
    genre = jax.random.randint(k2, (BATCH,), 0, NUM_GENRES, dtype=jnp.int64 if jax.config.jax_enable_x64 else jnp.int32)
    audio_features = jax.random.normal(k3, (BATCH, DIM_AUDIO), dtype=jnp.float32)
    music_table = jax.random.normal(k4, (NUM_MUSIC, DIM_MUSIC), dtype=jnp.float32) * 0.05
    genre_table = jax.random.normal(k5, (NUM_GENRES, DIM_GENRE), dtype=jnp.float32) * 0.05
    kw, kb = jax.random.split(k6)
    dense_w = jax.random.normal(kw, (DIM_AUDIO, DIM_AUDIO), dtype=jnp.float32) * (1.0 / np.sqrt(DIM_AUDIO))
    dense_b = jnp.zeros((DIM_AUDIO,), dtype=jnp.float32)
    return {
        "music_id": music_id,
        "genre": genre,
        "audio_features": audio_features,
        "music_table": music_table,
        "genre_table": genre_table,
        "dense_w": dense_w,
        "dense_b": dense_b,
    }


def reference(music_id, genre, audio_features, music_table, genre_table, dense_w, dense_b):
    music_emb = jnp.take(music_table, music_id, axis=0)
    genre_emb = jnp.take(genre_table, genre, axis=0)
    audio_proj = audio_features @ dense_w + dense_b
    return jnp.concatenate([music_emb, genre_emb, audio_proj], axis=1)

if __name__ == "__main__":
    import jax
    _d = setup_inputs()
    print(jax.jit(kernel)(*tuple(_d.values())))

</pallas_src>

<mosaic_0001>
#map = affine_map<(d0, d1) -> (0)>
#map1 = affine_map<(d0, d1) -> (0, 0)>
module attributes {stable_mosaic.version = 14 : i64} {
  func.func @_sc_gather(%arg0: i32, %arg1: i32, %arg2: memref<16384xi32, #tpu.memory_space<hbm>>, %arg3: memref<16384xi32, #tpu.memory_space<hbm>>, %arg4: memref<1000000x128xf32, #tpu.memory_space<hbm>>, %arg5: memref<16x1000xf32, #tpu.memory_space<hbm>>, %arg6: memref<16384x128xf32, #tpu.memory_space<hbm>>, %arg7: memref<16x16384xf32, #tpu.memory_space<hbm>>, %arg8: memref<512xi32, #tpu.memory_space<vmem>>, %arg9: memref<512xi32, #tpu.memory_space<vmem>>, %arg10: memref<512x128xf32, #tpu.memory_space<vmem>>, %arg11: memref<16x512xf32, #tpu.memory_space<vmem>>, %arg12: memref<16x1000xf32, #tpu.memory_space<vmem>>, %arg13: memref<!tpu.dma_semaphore, #tpu.memory_space<semaphore_mem>>, %arg14: memref<!tpu.dma_semaphore, #tpu.memory_space<semaphore_mem>>, %arg15: memref<!tpu.dma_semaphore, #tpu.memory_space<semaphore_mem>>) attributes {dimension_semantics = [#tpu.dimension_semantics<core_parallel>, #tpu.dimension_semantics<subcore_parallel>], iteration_bounds = array<i64: 2, 16>, scalar_prefetch = 0 : i64, scratch_operands = 8 : i64, tpu.core_type = #tpu.core_type<sc_vector_subcore>, window_params = [{transform_indices = #map}, {transform_indices = #map}, {transform_indices = #map1}, {transform_indices = #map1}, {transform_indices = #map1}, {transform_indices = #map1}]} {
    %mul3A = arith.constant 2 : i32
    %mul3A_0 = arith.muli %arg1, %mul3A : i32
    %add3A = arith.addi %mul3A_0, %arg0 : i32
    %mul3A_1 = arith.constant 512 : i32
    %mul3A_2 = arith.muli %add3A, %mul3A_1 : i32
    tpu.enqueue_dma source(%arg5 : memref<16x1000xf32, #tpu.memory_space<hbm>>) target(%arg12 : memref<16x1000xf32, #tpu.memory_space<vmem>>) target_semaphore(%arg15 : memref<!tpu.dma_semaphore, #tpu.memory_space<semaphore_mem>>)
    %dma_start3A = tpu.memref_slice %arg3[%mul3A_2] : memref<16384xi32, #tpu.memory_space<hbm>> -> memref<512xi32, #tpu.memory_space<hbm>>
    %dma_start3A_3 = tpu.memref_slice %arg3[%mul3A_2] : memref<16384xi32, #tpu.memory_space<hbm>> -> memref<512xi32, #tpu.memory_space<hbm>>
    tpu.enqueue_dma source(%dma_start3A_3 : memref<512xi32, #tpu.memory_space<hbm>>) target(%arg9 : memref<512xi32, #tpu.memory_space<vmem>>) target_semaphore(%arg15 : memref<!tpu.dma_semaphore, #tpu.memory_space<semaphore_mem>>)
    "tpu.region"() ({
      %run_scoped3A = tpu.sem_alloc : memref<!tpu.dma_semaphore, #tpu.memory_space<semaphore_mem>>
      %dma_start3A_36 = tpu.memref_slice %arg2[%mul3A_2] : memref<16384xi32, #tpu.memory_space<hbm>> -> memref<512xi32, #tpu.memory_space<hbm>>
      %dma_start3A_37 = tpu.memref_slice %arg2[%mul3A_2] : memref<16384xi32, #tpu.memory_space<hbm>> -> memref<512xi32, #tpu.memory_space<hbm>>
      tpu.enqueue_dma source(%dma_start3A_37 : memref<512xi32, #tpu.memory_space<hbm>>) target(%arg8 : memref<512xi32, #tpu.memory_space<vmem>>) target_semaphore(%run_scoped3A : memref<!tpu.dma_semaphore, #tpu.memory_space<semaphore_mem>>)
      %dma_wait3A_38 = tpu.memref_slice %arg2[%mul3A_2] : memref<16384xi32, #tpu.memory_space<hbm>> -> memref<512xi32, #tpu.memory_space<hbm>>
      %dma_wait3A_39 = tpu.memref_slice %arg2[%mul3A_2] : memref<16384xi32, #tpu.memory_space<hbm>> -> memref<512xi32, #tpu.memory_space<hbm>>
      tpu.wait_dma2 semaphore(%run_scoped3A : memref<!tpu.dma_semaphore, #tpu.memory_space<semaphore_mem>>) src(%dma_wait3A_39 : memref<512xi32, #tpu.memory_space<hbm>>) dst(%arg8 : memref<512xi32, #tpu.memory_space<vmem>>)
      tpu.yield
    }) : () -> ()
    %scan3A = arith.constant 0 : i32
    %scan3A_4 = arith.constant 0 : i32
    %scan3A_5 = arith.constant 4 : i32
    %scan3A_6 = arith.addi %scan3A_4, %scan3A_5 : i32
    %scan3A_7 = arith.constant 1 : i32
    scf.for %scan3A_36 = %scan3A_4 to %scan3A_6 step %scan3A_7  : i32 {
      %mul3A_37 = arith.constant 128 : i32
      %mul3A_38 = arith.muli %scan3A_36, %mul3A_37 : i32
      %mul3A_39 = arith.constant 128 : i32
      %mul3A_40 = arith.muli %scan3A_36, %mul3A_39 : i32
      %dma_start3A_41 = arith.constant 0 : i32
      %dma_start3A_42 = tpu.memref_slice %arg10[%mul3A_40, %dma_start3A_41] : memref<512x128xf32, #tpu.memory_space<vmem>> -> memref<128x128xf32, #tpu.memory_space<vmem>>
      %dma_start3A_43 = tpu.memref_slice %arg8[%mul3A_38] : memref<512xi32, #tpu.memory_space<vmem>> -> memref<128xi32, #tpu.memory_space<vmem>>
      %dma_start3A_44 = arith.constant 0 : i32
      %dma_start3A_45 = arith.constant 0 : i32
      %dma_start3A_46 = tpu.memref_slice %arg4[%dma_start3A_44, %dma_start3A_45] : memref<1000000x128xf32, #tpu.memory_space<hbm>> -> memref<1000000x128xf32, #tpu.memory_space<hbm>>
      tpu.enqueue_indirect_dma source(%dma_start3A_46 : memref<1000000x128xf32, #tpu.memory_space<hbm>>) target(%dma_start3A_42 : memref<128x128xf32, #tpu.memory_space<vmem>>) offsets(%dma_start3A_43 : memref<128xi32, #tpu.memory_space<vmem>>) semaphore(%arg13 : memref<!tpu.dma_semaphore, #tpu.memory_space<semaphore_mem>>)
    }
    %scan3A_8 = arith.constant 4 : i32
    tpu.wait_dma2 semaphore(%arg15 : memref<!tpu.dma_semaphore, #tpu.memory_space<semaphore_mem>>) src(%arg5 : memref<16x1000xf32, #tpu.memory_space<hbm>>) dst(%arg12 : memref<16x1000xf32, #tpu.memory_space<vmem>>)
    %dma_wait3A = tpu.memref_slice %arg3[%mul3A_2] : memref<16384xi32, #tpu.memory_space<hbm>> -> memref<512xi32, #tpu.memory_space<hbm>>
    %dma_wait3A_9 = tpu.memref_slice %arg3[%mul3A_2] : memref<16384xi32, #tpu.memory_space<hbm>> -> memref<512xi32, #tpu.memory_space<hbm>>
    tpu.wait_dma2 semaphore(%arg15 : memref<!tpu.dma_semaphore, #tpu.memory_space<semaphore_mem>>) src(%dma_wait3A_9 : memref<512xi32, #tpu.memory_space<hbm>>) dst(%arg9 : memref<512xi32, #tpu.memory_space<vmem>>)
    %scan3A_10 = arith.constant 0 : i32
    %scan3A_11 = arith.constant 0 : i32
    %scan3A_12 = arith.constant 32 : i32
    %scan3A_13 = arith.addi %scan3A_11, %scan3A_12 : i32
    %scan3A_14 = arith.constant 1 : i32
    scf.for %scan3A_36 = %scan3A_11 to %scan3A_13 step %scan3A_14  : i32 {
      %mul3A_37 = arith.constant 16 : i32
      %mul3A_38 = arith.muli %scan3A_36, %mul3A_37 : i32
      %get3A = arith.index_cast %mul3A_38 : i32 to index
      %get3A_39 = tpu.vector_load %arg9[%get3A] {strides = array<i32>} : memref<512xi32, #tpu.memory_space<vmem>>, vector<16xi32>,
      %broadcast_in_dim3A = arith.constant 0 : i32
      %broadcast_in_dim3A_40 = vector.broadcast %broadcast_in_dim3A : i32 to vector<16xi32>
      %gather3A = tpu.vector_load_idx %arg12[%broadcast_in_dim3A_40, %get3A_39] : memref<16x1000xf32, #tpu.memory_space<vmem>>[vector<16xi32>, vector<16xi32>], vector<16xf32>,
      %mul3A_41 = arith.constant 16 : i32
      %mul3A_42 = arith.muli %scan3A_36, %mul3A_41 : i32
      %swap3A = arith.constant 0 : i32
      %swap3A_43 = arith.index_cast %swap3A : i32 to index
      %swap3A_44 = arith.index_cast %mul3A_42 : i32 to index
      %swap3A_45 = tpu.vector_load %arg11[%swap3A_43, %swap3A_44] {strides = array<i32>} : memref<16x512xf32, #tpu.memory_space<vmem>>, vector<16xf32>,
      tpu.vector_store %arg11[%swap3A_43, %swap3A_44], %gather3A {strides = array<i32>} : memref<16x512xf32, #tpu.memory_space<vmem>>, vector<16xf32>,
      %broadcast_in_dim3A_46 = arith.constant 1 : i32
      %broadcast_in_dim3A_47 = vector.broadcast %broadcast_in_dim3A_46 : i32 to vector<16xi32>
      %gather3A_48 = tpu.vector_load_idx %arg12[%broadcast_in_dim3A_47, %get3A_39] : memref<16x1000xf32, #tpu.memory_space<vmem>>[vector<16xi32>, vector<16xi32>], vector<16xf32>,
      %mul3A_49 = arith.constant 16 : i32
      %mul3A_50 = arith.muli %scan3A_36, %mul3A_49 : i32
      %swap3A_51 = arith.constant 1 : i32
      %swap3A_52 = arith.index_cast %swap3A_51 : i32 to index
      %swap3A_53 = arith.index_cast %mul3A_50 : i32 to index
      %swap3A_54 = tpu.vector_load %arg11[%swap3A_52, %swap3A_53] {strides = array<i32>} : memref<16x512xf32, #tpu.memory_space<vmem>>, vector<16xf32>,
      tpu.vector_store %arg11[%swap3A_52, %swap3A_53], %gather3A_48 {strides = array<i32>} : memref<16x512xf32, #tpu.memory_space<vmem>>, vector<16xf32>,
      %broadcast_in_dim3A_55 = arith.constant 2 : i32
      %broadcast_in_dim3A_56 = vector.broadcast %broadcast_in_dim3A_55 : i32 to vector<16xi32>
      %gather3A_57 = tpu.vector_load_idx %arg12[%broadcast_in_dim3A_56, %get3A_39] : memref<16x1000xf32, #tpu.memory_space<vmem>>[vector<16xi32>, vector<16xi32>], vector<16xf32>,
      %mul3A_58 = arith.constant 16 : i32
      %mul3A_59 = arith.muli %scan3A_36, %mul3A_58 : i32
      %swap3A_60 = arith.constant 2 : i32
      %swap3A_61 = arith.index_cast %swap3A_60 : i32 to index
      %swap3A_62 = arith.index_cast %mul3A_59 : i32 to index
      %swap3A_63 = tpu.vector_load %arg11[%swap3A_61, %swap3A_62] {strides = array<i32>} : memref<16x512xf32, #tpu.memory_space<vmem>>, vector<16xf32>,
      tpu.vector_store %arg11[%swap3A_61, %swap3A_62], %gather3A_57 {strides = array<i32>} : memref<16x512xf32, #tpu.memory_space<vmem>>, vector<16xf32>,
      %broadcast_in_dim3A_64 = arith.constant 3 : i32
      %broadcast_in_dim3A_65 = vector.broadcast %broadcast_in_dim3A_64 : i32 to vector<16xi32>
      %gather3A_66 = tpu.vector_load_idx %arg12[%broadcast_in_dim3A_65, %get3A_39] : memref<16x1000xf32, #tpu.memory_space<vmem>>[vector<16xi32>, vector<16xi32>], vector<16xf32>,
      %mul3A_67 = arith.constant 16 : i32
      %mul3A_68 = arith.muli %scan3A_36, %mul3A_67 : i32
      %swap3A_69 = arith.constant 3 : i32
      %swap3A_70 = arith.index_cast %swap3A_69 : i32 to index
      %swap3A_71 = arith.index_cast %mul3A_68 : i32 to index
      %swap3A_72 = tpu.vector_load %arg11[%swap3A_70, %swap3A_71] {strides = array<i32>} : memref<16x512xf32, #tpu.memory_space<vmem>>, vector<16xf32>,
      tpu.vector_store %arg11[%swap3A_70, %swap3A_71], %gather3A_66 {strides = array<i32>} : memref<16x512xf32, #tpu.memory_space<vmem>>, vector<16xf32>,
      %broadcast_in_dim3A_73 = arith.constant 4 : i32
      %broadcast_in_dim3A_74 = vector.broadcast %broadcast_in_dim3A_73 : i32 to vector<16xi32>
      %gather3A_75 = tpu.vector_load_idx %arg12[%broadcast_in_dim3A_74, %get3A_39] : memref<16x1000xf32, #tpu.memory_space<vmem>>[vector<16xi32>, vector<16xi32>], vector<16xf32>,
      %mul3A_76 = arith.constant 16 : i32
      %mul3A_77 = arith.muli %scan3A_36, %mul3A_76 : i32
      %swap3A_78 = arith.constant 4 : i32
      %swap3A_79 = arith.index_cast %swap3A_78 : i32 to index
      %swap3A_80 = arith.index_cast %mul3A_77 : i32 to index
      %swap3A_81 = tpu.vector_load %arg11[%swap3A_79, %swap3A_80] {strides = array<i32>} : memref<16x512xf32, #tpu.memory_space<vmem>>, vector<16xf32>,
      tpu.vector_store %arg11[%swap3A_79, %swap3A_80], %gather3A_75 {strides = array<i32>} : memref<16x512xf32, #tpu.memory_space<vmem>>, vector<16xf32>,
      %broadcast_in_dim3A_82 = arith.constant 5 : i32
      %broadcast_in_dim3A_83 = vector.broadcast %broadcast_in_dim3A_82 : i32 to vector<16xi32>
      %gather3A_84 = tpu.vector_load_idx %arg12[%broadcast_in_dim3A_83, %get3A_39] : memref<16x1000xf32, #tpu.memory_space<vmem>>[vector<16xi32>, vector<16xi32>], vector<16xf32>,
      %mul3A_85 = arith.constant 16 : i32
      %mul3A_86 = arith.muli %scan3A_36, %mul3A_85 : i32
      %swap3A_87 = arith.constant 5 : i32
      %swap3A_88 = arith.index_cast %swap3A_87 : i32 to index
      %swap3A_89 = arith.index_cast %mul3A_86 : i32 to index
      %swap3A_90 = tpu.vector_load %arg11[%swap3A_88, %swap3A_89] {strides = array<i32>} : memref<16x512xf32, #tpu.memory_space<vmem>>, vector<16xf32>,
      tpu.vector_store %arg11[%swap3A_88, %swap3A_89], %gather3A_84 {strides = array<i32>} : memref<16x512xf32, #tpu.memory_space<vmem>>, vector<16xf32>,
      %broadcast_in_dim3A_91 = arith.constant 6 : i32
      %broadcast_in_dim3A_92 = vector.broadcast %broadcast_in_dim3A_91 : i32 to vector<16xi32>
      %gather3A_93 = tpu.vector_load_idx %arg12[%broadcast_in_dim3A_92, %get3A_39] : memref<16x1000xf32, #tpu.memory_space<vmem>>[vector<16xi32>, vector<16xi32>], vector<16xf32>,
      %mul3A_94 = arith.constant 16 : i32
      %mul3A_95 = arith.muli %scan3A_36, %mul3A_94 : i32
      %swap3A_96 = arith.constant 6 : i32
      %swap3A_97 = arith.index_cast %swap3A_96 : i32 to index
      %swap3A_98 = arith.index_cast %mul3A_95 : i32 to index
      %swap3A_99 = tpu.vector_load %arg11[%swap3A_97, %swap3A_98] {strides = array<i32>} : memref<16x512xf32, #tpu.memory_space<vmem>>, vector<16xf32>,
      tpu.vector_store %arg11[%swap3A_97, %swap3A_98], %gather3A_93 {strides = array<i32>} : memref<16x512xf32, #tpu.memory_space<vmem>>, vector<16xf32>,
      %broadcast_in_dim3A_100 = arith.constant 7 : i32
      %broadcast_in_dim3A_101 = vector.broadcast %broadcast_in_dim3A_100 : i32 to vector<16xi32>
      %gather3A_102 = tpu.vector_load_idx %arg12[%broadcast_in_dim3A_101, %get3A_39] : memref<16x1000xf32, #tpu.memory_space<vmem>>[vector<16xi32>, vector<16xi32>], vector<16xf32>,
      %mul3A_103 = arith.constant 16 : i32
      %mul3A_104 = arith.muli %scan3A_36, %mul3A_103 : i32
      %swap3A_105 = arith.constant 7 : i32
      %swap3A_106 = arith.index_cast %swap3A_105 : i32 to index
      %swap3A_107 = arith.index_cast %mul3A_104 : i32 to index
      %swap3A_108 = tpu.vector_load %arg11[%swap3A_106, %swap3A_107] {strides = array<i32>} : memref<16x512xf32, #tpu.memory_space<vmem>>, vector<16xf32>,
      tpu.vector_store %arg11[%swap3A_106, %swap3A_107], %gather3A_102 {strides = array<i32>} : memref<16x512xf32, #tpu.memory_space<vmem>>, vector<16xf32>,
      %broadcast_in_dim3A_109 = arith.constant 8 : i32
      %broadcast_in_dim3A_110 = vector.broadcast %broadcast_in_dim3A_109 : i32 to vector<16xi32>
      %gather3A_111 = tpu.vector_load_idx %arg12[%broadcast_in_dim3A_110, %get3A_39] : memref<16x1000xf32, #tpu.memory_space<vmem>>[vector<16xi32>, vector<16xi32>], vector<16xf32>,
      %mul3A_112 = arith.constant 16 : i32
      %mul3A_113 = arith.muli %scan3A_36, %mul3A_112 : i32
      %swap3A_114 = arith.constant 8 : i32
      %swap3A_115 = arith.index_cast %swap3A_114 : i32 to index
      %swap3A_116 = arith.index_cast %mul3A_113 : i32 to index
      %swap3A_117 = tpu.vector_load %arg11[%swap3A_115, %swap3A_116] {strides = array<i32>} : memref<16x512xf32, #tpu.memory_space<vmem>>, vector<16xf32>,
      tpu.vector_store %arg11[%swap3A_115, %swap3A_116], %gather3A_111 {strides = array<i32>} : memref<16x512xf32, #tpu.memory_space<vmem>>, vector<16xf32>,
      %broadcast_in_dim3A_118 = arith.constant 9 : i32
      %broadcast_in_dim3A_119 = vector.broadcast %broadcast_in_dim3A_118 : i32 to vector<16xi32>
      %gather3A_120 = tpu.vector_load_idx %arg12[%broadcast_in_dim3A_119, %get3A_39] : memref<16x1000xf32, #tpu.memory_space<vmem>>[vector<16xi32>, vector<16xi32>], vector<16xf32>,
      %mul3A_121 = arith.constant 16 : i32
      %mul3A_122 = arith.muli %scan3A_36, %mul3A_121 : i32
      %swap3A_123 = arith.constant 9 : i32
      %swap3A_124 = arith.index_cast %swap3A_123 : i32 to index
      %swap3A_125 = arith.index_cast %mul3A_122 : i32 to index
      %swap3A_126 = tpu.vector_load %arg11[%swap3A_124, %swap3A_125] {strides = array<i32>} : memref<16x512xf32, #tpu.memory_space<vmem>>, vector<16xf32>,
      tpu.vector_store %arg11[%swap3A_124, %swap3A_125], %gather3A_120 {strides = array<i32>} : memref<16x512xf32, #tpu.memory_space<vmem>>, vector<16xf32>,
      %broadcast_in_dim3A_127 = arith.constant 10 : i32
      %broadcast_in_dim3A_128 = vector.broadcast %broadcast_in_dim3A_127 : i32 to vector<16xi32>
      %gather3A_129 = tpu.vector_load_idx %arg12[%broadcast_in_dim3A_128, %get3A_39] : memref<16x1000xf32, #tpu.memory_space<vmem>>[vector<16xi32>, vector<16xi32>], vector<16xf32>,
      %mul3A_130 = arith.constant 16 : i32
      %mul3A_131 = arith.muli %scan3A_36, %mul3A_130 : i32
      %swap3A_132 = arith.constant 10 : i32
      %swap3A_133 = arith.index_cast %swap3A_132 : i32 to index
      %swap3A_134 = arith.index_cast %mul3A_131 : i32 to index
      %swap3A_135 = tpu.vector_load %arg11[%swap3A_133, %swap3A_134] {strides = array<i32>} : memref<16x512xf32, #tpu.memory_space<vmem>>, vector<16xf32>,
      tpu.vector_store %arg11[%swap3A_133, %swap3A_134], %gather3A_129 {strides = array<i32>} : memref<16x512xf32, #tpu.memory_space<vmem>>, vector<16xf32>,
      %broadcast_in_dim3A_136 = arith.constant 11 : i32
      %broadcast_in_dim3A_137 = vector.broadcast %broadcast_in_dim3A_136 : i32 to vector<16xi32>
      %gather3A_138 = tpu.vector_load_idx %arg12[%broadcast_in_dim3A_137, %get3A_39] : memref<16x1000xf32, #tpu.memory_space<vmem>>[vector<16xi32>, vector<16xi32>], vector<16xf32>,
      %mul3A_139 = arith.constant 16 : i32
      %mul3A_140 = arith.muli %scan3A_36, %mul3A_139 : i32
      %swap3A_141 = arith.constant 11 : i32
      %swap3A_142 = arith.index_cast %swap3A_141 : i32 to index
      %swap3A_143 = arith.index_cast %mul3A_140 : i32 to index
      %swap3A_144 = tpu.vector_load %arg11[%swap3A_142, %swap3A_143] {strides = array<i32>} : memref<16x512xf32, #tpu.memory_space<vmem>>, vector<16xf32>,
      tpu.vector_store %arg11[%swap3A_142, %swap3A_143], %gather3A_138 {strides = array<i32>} : memref<16x512xf32, #tpu.memory_space<vmem>>, vector<16xf32>,
      %broadcast_in_dim3A_145 = arith.constant 12 : i32
      %broadcast_in_dim3A_146 = vector.broadcast %broadcast_in_dim3A_145 : i32 to vector<16xi32>
      %gather3A_147 = tpu.vector_load_idx %arg12[%broadcast_in_dim3A_146, %get3A_39] : memref<16x1000xf32, #tpu.memory_space<vmem>>[vector<16xi32>, vector<16xi32>], vector<16xf32>,
      %mul3A_148 = arith.constant 16 : i32
      %mul3A_149 = arith.muli %scan3A_36, %mul3A_148 : i32
      %swap3A_150 = arith.constant 12 : i32
      %swap3A_151 = arith.index_cast %swap3A_150 : i32 to index
      %swap3A_152 = arith.index_cast %mul3A_149 : i32 to index
      %swap3A_153 = tpu.vector_load %arg11[%swap3A_151, %swap3A_152] {strides = array<i32>} : memref<16x512xf32, #tpu.memory_space<vmem>>, vector<16xf32>,
      tpu.vector_store %arg11[%swap3A_151, %swap3A_152], %gather3A_147 {strides = array<i32>} : memref<16x512xf32, #tpu.memory_space<vmem>>, vector<16xf32>,
      %broadcast_in_dim3A_154 = arith.constant 13 : i32
      %broadcast_in_dim3A_155 = vector.broadcast %broadcast_in_dim3A_154 : i32 to vector<16xi32>
      %gather3A_156 = tpu.vector_load_idx %arg12[%broadcast_in_dim3A_155, %get3A_39] : memref<16x1000xf32, #tpu.memory_space<vmem>>[vector<16xi32>, vector<16xi32>], vector<16xf32>,
      %mul3A_157 = arith.constant 16 : i32
      %mul3A_158 = arith.muli %scan3A_36, %mul3A_157 : i32
      %swap3A_159 = arith.constant 13 : i32
      %swap3A_160 = arith.index_cast %swap3A_159 : i32 to index
      %swap3A_161 = arith.index_cast %mul3A_158 : i32 to index
      %swap3A_162 = tpu.vector_load %arg11[%swap3A_160, %swap3A_161] {strides = array<i32>} : memref<16x512xf32, #tpu.memory_space<vmem>>, vector<16xf32>,
      tpu.vector_store %arg11[%swap3A_160, %swap3A_161], %gather3A_156 {strides = array<i32>} : memref<16x512xf32, #tpu.memory_space<vmem>>, vector<16xf32>,
      %broadcast_in_dim3A_163 = arith.constant 14 : i32
      %broadcast_in_dim3A_164 = vector.broadcast %broadcast_in_dim3A_163 : i32 to vector<16xi32>
      %gather3A_165 = tpu.vector_load_idx %arg12[%broadcast_in_dim3A_164, %get3A_39] : memref<16x1000xf32, #tpu.memory_space<vmem>>[vector<16xi32>, vector<16xi32>], vector<16xf32>,
      %mul3A_166 = arith.constant 16 : i32
      %mul3A_167 = arith.muli %scan3A_36, %mul3A_166 : i32
      %swap3A_168 = arith.constant 14 : i32
      %swap3A_169 = arith.index_cast %swap3A_168 : i32 to index
      %swap3A_170 = arith.index_cast %mul3A_167 : i32 to index
      %swap3A_171 = tpu.vector_load %arg11[%swap3A_169, %swap3A_170] {strides = array<i32>} : memref<16x512xf32, #tpu.memory_space<vmem>>, vector<16xf32>,
      tpu.vector_store %arg11[%swap3A_169, %swap3A_170], %gather3A_165 {strides = array<i32>} : memref<16x512xf32, #tpu.memory_space<vmem>>, vector<16xf32>,
      %broadcast_in_dim3A_172 = arith.constant 15 : i32
      %broadcast_in_dim3A_173 = vector.broadcast %broadcast_in_dim3A_172 : i32 to vector<16xi32>
      %gather3A_174 = tpu.vector_load_idx %arg12[%broadcast_in_dim3A_173, %get3A_39] : memref<16x1000xf32, #tpu.memory_space<vmem>>[vector<16xi32>, vector<16xi32>], vector<16xf32>,
      %mul3A_175 = arith.constant 16 : i32
      %mul3A_176 = arith.muli %scan3A_36, %mul3A_175 : i32
      %swap3A_177 = arith.constant 15 : i32
      %swap3A_178 = arith.index_cast %swap3A_177 : i32 to index
      %swap3A_179 = arith.index_cast %mul3A_176 : i32 to index
      %swap3A_180 = tpu.vector_load %arg11[%swap3A_178, %swap3A_179] {strides = array<i32>} : memref<16x512xf32, #tpu.memory_space<vmem>>, vector<16xf32>,
      tpu.vector_store %arg11[%swap3A_178, %swap3A_179], %gather3A_174 {strides = array<i32>} : memref<16x512xf32, #tpu.memory_space<vmem>>, vector<16xf32>,
    }
    %scan3A_15 = arith.constant 32 : i32
    %dma_start3A_16 = arith.constant 0 : i32
    %dma_start3A_17 = tpu.memref_slice %arg7[%dma_start3A_16, %mul3A_2] : memref<16x16384xf32, #tpu.memory_space<hbm>> -> memref<16x512xf32, #tpu.memory_space<hbm>>
    %dma_start3A_18 = arith.constant 0 : i32
    %dma_start3A_19 = tpu.memref_slice %arg7[%dma_start3A_18, %mul3A_2] : memref<16x16384xf32, #tpu.memory_space<hbm>> -> memref<16x512xf32, #tpu.memory_space<hbm>>
    tpu.enqueue_dma source(%arg11 : memref<16x512xf32, #tpu.memory_space<vmem>>) target(%dma_start3A_19 : memref<16x512xf32, #tpu.memory_space<hbm>>) target_semaphore(%arg15 : memref<!tpu.dma_semaphore, #tpu.memory_space<semaphore_mem>>)
    %scan3A_20 = arith.constant 0 : i32
    %scan3A_21 = arith.constant 0 : i32
    %scan3A_22 = arith.constant 4 : i32
    %scan3A_23 = arith.addi %scan3A_21, %scan3A_22 : i32
    %scan3A_24 = arith.constant 1 : i32
    scf.for %scan3A_36 = %scan3A_21 to %scan3A_23 step %scan3A_24  : i32 {
      %mul3A_37 = arith.constant 128 : i32
      %mul3A_38 = arith.muli %scan3A_36, %mul3A_37 : i32
      %add3A_39 = arith.addi %mul3A_2, %mul3A_38 : i32
      %mul3A_40 = arith.constant 128 : i32
      %mul3A_41 = arith.muli %scan3A_36, %mul3A_40 : i32
      %dma_wait3A_42 = arith.constant 0 : i32
      %dma_wait3A_43 = tpu.memref_slice %arg10[%mul3A_41, %dma_wait3A_42] : memref<512x128xf32, #tpu.memory_space<vmem>> -> memref<128x128xf32, #tpu.memory_space<vmem>>
      %dma_wait3A_44 = arith.constant 0 : i32
      %dma_wait3A_45 = tpu.memref_slice %arg6[%add3A_39, %dma_wait3A_44] : memref<16384x128xf32, #tpu.memory_space<hbm>> -> memref<128x128xf32, #tpu.memory_space<hbm>>
      %dma_wait3A_46 = arith.constant 0 : i32
      %dma_wait3A_47 = tpu.memref_slice %arg10[%mul3A_41, %dma_wait3A_46] : memref<512x128xf32, #tpu.memory_space<vmem>> -> memref<128x128xf32, #tpu.memory_space<vmem>>
      %dma_wait3A_48 = arith.constant 0 : i32
      %dma_wait3A_49 = tpu.memref_slice %arg6[%add3A_39, %dma_wait3A_48] : memref<16384x128xf32, #tpu.memory_space<hbm>> -> memref<128x128xf32, #tpu.memory_space<hbm>>
      tpu.wait_dma2 semaphore(%arg13 : memref<!tpu.dma_semaphore, #tpu.memory_space<semaphore_mem>>) src(%dma_wait3A_49 : memref<128x128xf32, #tpu.memory_space<hbm>>) dst(%dma_wait3A_47 : memref<128x128xf32, #tpu.memory_space<vmem>>)
      %mul3A_50 = arith.constant 128 : i32
      %mul3A_51 = arith.muli %scan3A_36, %mul3A_50 : i32
      %mul3A_52 = arith.constant 128 : i32
      %mul3A_53 = arith.muli %scan3A_36, %mul3A_52 : i32
      %add3A_54 = arith.addi %mul3A_2, %mul3A_53 : i32
      %dma_start3A_55 = arith.constant 0 : i32
      %dma_start3A_56 = tpu.memref_slice %arg10[%mul3A_51, %dma_start3A_55] : memref<512x128xf32, #tpu.memory_space<vmem>> -> memref<128x128xf32, #tpu.memory_space<vmem>>
      %dma_start3A_57 = arith.constant 0 : i32
      %dma_start3A_58 = tpu.memref_slice %arg6[%add3A_54, %dma_start3A_57] : memref<16384x128xf32, #tpu.memory_space<hbm>> -> memref<128x128xf32, #tpu.memory_space<hbm>>
      %dma_start3A_59 = arith.constant 0 : i32
      %dma_start3A_60 = tpu.memref_slice %arg6[%add3A_54, %dma_start3A_59] : memref<16384x128xf32, #tpu.memory_space<hbm>> -> memref<128x128xf32, #tpu.memory_space<hbm>>
      %dma_start3A_61 = arith.constant 0 : i32
      %dma_start3A_62 = tpu.memref_slice %arg10[%mul3A_51, %dma_start3A_61] : memref<512x128xf32, #tpu.memory_space<vmem>> -> memref<128x128xf32, #tpu.memory_space<vmem>>
      tpu.enqueue_dma source(%dma_start3A_62 : memref<128x128xf32, #tpu.memory_space<vmem>>) target(%dma_start3A_60 : memref<128x128xf32, #tpu.memory_space<hbm>>) target_semaphore(%arg14 : memref<!tpu.dma_semaphore, #tpu.memory_space<semaphore_mem>>)
    }
    %scan3A_25 = arith.constant 4 : i32
    %scan3A_26 = arith.constant 0 : i32
    %scan3A_27 = arith.constant 0 : i32
    %scan3A_28 = arith.constant 4 : i32
    %scan3A_29 = arith.addi %scan3A_27, %scan3A_28 : i32
    %scan3A_30 = arith.constant 1 : i32
    scf.for %scan3A_36 = %scan3A_27 to %scan3A_29 step %scan3A_30  : i32 {
      %mul3A_37 = arith.constant 128 : i32
      %mul3A_38 = arith.muli %scan3A_36, %mul3A_37 : i32
      %add3A_39 = arith.addi %mul3A_2, %mul3A_38 : i32
      %mul3A_40 = arith.constant 128 : i32
      %mul3A_41 = arith.muli %scan3A_36, %mul3A_40 : i32
      %dma_wait3A_42 = arith.constant 0 : i32
      %dma_wait3A_43 = tpu.memref_slice %arg10[%mul3A_41, %dma_wait3A_42] : memref<512x128xf32, #tpu.memory_space<vmem>> -> memref<128x128xf32, #tpu.memory_space<vmem>>
      %dma_wait3A_44 = arith.constant 0 : i32
      %dma_wait3A_45 = tpu.memref_slice %arg6[%add3A_39, %dma_wait3A_44] : memref<16384x128xf32, #tpu.memory_space<hbm>> -> memref<128x128xf32, #tpu.memory_space<hbm>>
      %dma_wait3A_46 = arith.constant 0 : i32
      %dma_wait3A_47 = tpu.memref_slice %arg10[%mul3A_41, %dma_wait3A_46] : memref<512x128xf32, #tpu.memory_space<vmem>> -> memref<128x128xf32, #tpu.memory_space<vmem>>
      %dma_wait3A_48 = arith.constant 0 : i32
      %dma_wait3A_49 = tpu.memref_slice %arg6[%add3A_39, %dma_wait3A_48] : memref<16384x128xf32, #tpu.memory_space<hbm>> -> memref<128x128xf32, #tpu.memory_space<hbm>>
      tpu.wait_dma2 semaphore(%arg14 : memref<!tpu.dma_semaphore, #tpu.memory_space<semaphore_mem>>) src(%dma_wait3A_49 : memref<128x128xf32, #tpu.memory_space<hbm>>) dst(%dma_wait3A_47 : memref<128x128xf32, #tpu.memory_space<vmem>>)
    }
    %scan3A_31 = arith.constant 4 : i32
    %dma_wait3A_32 = arith.constant 0 : i32
    %dma_wait3A_33 = tpu.memref_slice %arg7[%dma_wait3A_32, %mul3A_2] : memref<16x16384xf32, #tpu.memory_space<hbm>> -> memref<16x512xf32, #tpu.memory_space<hbm>>
    %dma_wait3A_34 = arith.constant 0 : i32
    %dma_wait3A_35 = tpu.memref_slice %arg7[%dma_wait3A_34, %mul3A_2] : memref<16x16384xf32, #tpu.memory_space<hbm>> -> memref<16x512xf32, #tpu.memory_space<hbm>>
    tpu.wait_dma2 semaphore(%arg15 : memref<!tpu.dma_semaphore, #tpu.memory_space<semaphore_mem>>) src(%arg11 : memref<16x512xf32, #tpu.memory_space<vmem>>) dst(%dma_wait3A_35 : memref<16x512xf32, #tpu.memory_space<hbm>>)
    return
  }
}

module attributes {stable_mosaic.version = 14 : i64} {
  func.func @_tc_body(%arg0: i32, %arg1: memref<8192x128xf32, #tpu.memory_space<vmem>>, %arg2: memref<16x8192xf32, #tpu.memory_space<vmem>>, %arg3: memref<32x8192xf32, #tpu.memory_space<vmem>>, %arg4: memref<32x32xf32, #tpu.memory_space<vmem>>, %arg5: memref<32x1xf32, #tpu.memory_space<vmem>>, %arg6: memref<176x8192xf32, #tpu.memory_space<vmem>>) attributes {dimension_semantics = [#tpu.dimension_semantics<arbitrary>], iteration_bounds = array<i64: 2>, scalar_prefetch = 0 : i64, scratch_operands = 0 : i64, tpu.core_type = #tpu.core_type<tc>, window_params = [{transform_indices = @transform_0, window_bounds = array<i64: 8192, 128>}, {transform_indices = @transform_1, window_bounds = array<i64: 16, 8192>}, {transform_indices = @transform_2, window_bounds = array<i64: 32, 8192>}, {pipeline_mode = #tpu.pipeline_mode<synchronous>, transform_indices = @transform_3, window_bounds = array<i64: 32, 32>}, {pipeline_mode = #tpu.pipeline_mode<synchronous>, transform_indices = @transform_4, window_bounds = array<i64: 32, 1>}, {transform_indices = @transform_5, window_bounds = array<i64: 176, 8192>}]} {
    %get3A = arith.constant 0 : index
    %get3A_0 = arith.constant 0 : index
    %get3A_1 = vector.load %arg1[%get3A, %get3A_0] : memref<8192x128xf32, #tpu.memory_space<vmem>>, vector<8192x128xf32>
    %transpose3A = tpu.transpose %get3A_1, [1, 0] : vector<8192x128xf32> -> vector<128x8192xf32>
    %swap3A = arith.constant 0 : index
    %swap3A_2 = arith.constant 0 : index
    %swap3A_3 = vector.load %arg6[%swap3A, %swap3A_2] : memref<176x8192xf32, #tpu.memory_space<vmem>>, vector<128x8192xf32>
    tpu.vector_store %arg6[%swap3A, %swap3A_2], %transpose3A {strides = array<i32>} : memref<176x8192xf32, #tpu.memory_space<vmem>>, vector<128x8192xf32>,
    %get3A_4 = arith.constant 0 : index
    %get3A_5 = arith.constant 0 : index
    %get3A_6 = vector.load %arg2[%get3A_4, %get3A_5] : memref<16x8192xf32, #tpu.memory_space<vmem>>, vector<16x8192xf32>
    %swap3A_7 = arith.constant 128 : index
    %swap3A_8 = arith.constant 0 : index
    %swap3A_9 = vector.load %arg6[%swap3A_7, %swap3A_8] : memref<176x8192xf32, #tpu.memory_space<vmem>>, vector<16x8192xf32>
    tpu.vector_store %arg6[%swap3A_7, %swap3A_8], %get3A_6 {strides = array<i32>} : memref<176x8192xf32, #tpu.memory_space<vmem>>, vector<16x8192xf32>,
    %get3A_10 = arith.constant 0 : index
    %get3A_11 = arith.constant 0 : index
    %get3A_12 = vector.load %arg4[%get3A_10, %get3A_11] : memref<32x32xf32, #tpu.memory_space<vmem>>, vector<32x32xf32>
    %get3A_13 = arith.constant 0 : index
    %get3A_14 = arith.constant 0 : index
    %get3A_15 = vector.load %arg3[%get3A_13, %get3A_14] : memref<32x8192xf32, #tpu.memory_space<vmem>>, vector<32x8192xf32>
    %dot_general3A = arith.constant dense<0.000000e+00> : vector<32x8192xf32>
    %dot_general3A_16 = tpu.matmul %get3A_12, %get3A_15, %dot_general3A {dimension_numbers = #tpu.dot_dimension_numbers<[0], [0], [1], [1], [0, 1, 1, 1], [], []>, transpose_lhs_hint = false} : vector<32x32xf32>, vector<32x8192xf32>, vector<32x8192xf32> -> vector<32x8192xf32>
    %get3A_17 = arith.constant 0 : index
    %get3A_18 = arith.constant 0 : index
    %get3A_19 = vector.load %arg5[%get3A_17, %get3A_18] : memref<32x1xf32, #tpu.memory_space<vmem>>, vector<32x1xf32>
    %add3A = vector.broadcast %get3A_19 : vector<32x1xf32> to vector<32x8192xf32>
    %add3A_20 = arith.addf %dot_general3A_16, %add3A : vector<32x8192xf32>
    %swap3A_21 = arith.constant 144 : index
    %swap3A_22 = arith.constant 0 : index
    %swap3A_23 = vector.load %arg6[%swap3A_21, %swap3A_22] : memref<176x8192xf32, #tpu.memory_space<vmem>>, vector<32x8192xf32>
    tpu.vector_store %arg6[%swap3A_21, %swap3A_22], %add3A_20 {strides = array<i32>} : memref<176x8192xf32, #tpu.memory_space<vmem>>, vector<32x8192xf32>,
    return
  }
  func.func @transform_0(%arg0: i32) -> (i32, i32) {
    %c0_i32 = arith.constant 0 : i32
    %c0_i32_0 = arith.constant 0 : i32
    return %arg0, %c0_i32 : i32, i32
  }
  func.func @transform_1(%arg0: i32) -> (i32, i32) {
    %c0_i32 = arith.constant 0 : i32
    %c0_i32_0 = arith.constant 0 : i32
    return %c0_i32, %arg0 : i32, i32
  }
  func.func @transform_2(%arg0: i32) -> (i32, i32) {
    %c0_i32 = arith.constant 0 : i32
    %c0_i32_0 = arith.constant 0 : i32
    return %c0_i32, %arg0 : i32, i32
  }
  func.func @transform_3(%arg0: i32) -> (i32, i32) {
    %c0_i32 = arith.constant 0 : i32
    %c0_i32_0 = arith.constant 0 : i32
    %c0_i32_1 = arith.constant 0 : i32
    return %c0_i32, %c0_i32_0 : i32, i32
  }
  func.func @transform_4(%arg0: i32) -> (i32, i32) {
    %c0_i32 = arith.constant 0 : i32
    %c0_i32_0 = arith.constant 0 : i32
    %c0_i32_1 = arith.constant 0 : i32
    return %c0_i32, %c0_i32_0 : i32, i32
  }
  func.func @transform_5(%arg0: i32) -> (i32, i32) {
    %c0_i32 = arith.constant 0 : i32
    %c0_i32_0 = arith.constant 0 : i32
    return %c0_i32, %arg0 : i32, i32
  }
}

</mosaic_0001>

<sc_bundles>
// kernel: kernel.4.cloned.1.call-start
scs
__scs_entry_jumppad:
0x0: {  	(pc) =	sbr.rel $0x88, $3  }
0x1: {  	(tag) =	ssettag $0x0;
	lr =	simm.s32 $0x1  }
0x2: {  	[smem:$0x3F9A] =	sst lr;
	_ =	strace $0xD0000000  }
0x3: {  	_ = 	snop  }
0x4: {  	_ = 	snop  }
0x5: {  	_ = 	snop  }
0x6: {  	_ = 	snop  }
0x7: {  	_ = 	snop  }
__scs_overlays_trampoline_lowered:
0x8: {  	[smem:$0x3FA9] =	sst s0  }
0x9: {  	[smem:$0x3FAA] =	sst s1  }
0xa: {  	[smem:$0x3FAB] =	sst s2  }
0xb: {  	[smem:$0x3FAC] =	sst s3  }
0xc: {  	[smem:$0x3FAD] =	sst s4  }
0xd: {  	[smem:$0x3FAE] =	sst s5  }
0xe: {  	[smem:$0x3FAF] =	sst s6  }
0xf: {  	[smem:$0x3FB0] =	sst s7  }
0x10: {  	[smem:$0x3FB1] =	sst s8  }
0x11: {  	[smem:$0x3FB2] =	sst s9;
	s0 =	simm.s32 @!p0 $0x0  }
0x12: {  	s1 =	sld [smem:$0x3F98];
	s0 =	simm.s32 @p0 $0x1  }
0x13: {  	[smem:$0x3FB3] =	sst s0;
	s0 =	simm.s32 @!p1 $0x0  }
0x14: {  	s2 =	sld [smem:$0x3F97];
	s0 =	simm.s32 @p1 $0x1  }
0x15: {  	[smem:$0x3FB4] =	sst s0;
	s0 =	simm.s32 @!p2 $0x0  }
0x16: {  	s3 =	sld [smem:$0x3FDB];
	s0 =	simm.s32 @p2 $0x1  }
0x17: {  	s4 =	simm.s32 $0x1BF5;
	[smem:$0x3FB6] =	sst s0  }
0x18: {  	s0 =	sld [smem:$0x3F99];
	_ =	swait.ge [sflag:s4], $0x0  }
0x19: {  	s7 =	sld [smem:$0x3F9A]  }
0x1a: {  	s8 =	sadd.s32 $0xFFFFE003, lr  }
0x1b: {  	s9 =	sadd.s32 $0xFFFFFEF7, lr;
	s5 =	simm.s32 $0xFFFFFFFF;
	p2 =	slt.u32 s8, $0xFFFFF086  }
0x1c: {  	p1 =	slt.u32 s9, $0xF7A;
	s5 =	simm.s32 @!p2 $0x0  }
0x1d: {  	s5 =	simm.s32 @p1 $0x1;
	p0 =	seq.s32 s7, s2  }
0x1e: {  	s7 =	smul.u32 @!p0 $0xF7A, s2;
	p2 =	seq.s32 @!p0 s5, $0x0  }
0x1f: {  	s9 =	smul.u32 $0xF7A, s1;
	s8 =	simm.s32 @!p0 $0x1BF5;
	p2 =	por !p2, p0  }
0x20: {  	[sflag:s8] =	ssyncset.s32 @!p0 $0xFFFFF086;
	s6 =	sadd.s32 @!p0 s3, s7;
	s7 =	simm.s32 @!p0 $0x108  }
0x21: {  	s3 =	sadd.s32 s3, s9;
	s6 =	sadd.s32 @!p0 $0x88, s6;
	s7 =	simm.s32 @p2 $0x1082  }
0x22: {  	[simem:s7], [sflag:s8] =	dma.local @!p0 [hbm:s6], $0xF7A  }
0x23: {  	s9 =	sor.u32 $0xD0000000, s2;
	s6 =	simm.s32 $0x108;
	_ =	swait.ge @!p0 [sflag:s8], $0x0  }
0x24: {  	s3 =	sadd.s32 $0x88, s3;
	s6 =	simm.s32 @!p1 $0x1082;
	[sflag:s4] =	ssyncset.s32 $0xFFFFF086  }
0x25: {  	[simem:s6], [sflag:s4] =	dma.local [hbm:s3], $0xF7A  }
0x26: {  	[smem:$0x3F9A] =	sst s1;
	(tag) =	ssettag s2;
	_ =	strace s9  }
0x27: {  	s1 =	sld [smem:$0x3FAA]  }
0x28: {  	s2 =	sld [smem:$0x3FAB]  }
0x29: {  	s4 =	sld [smem:$0x3FAD]  }
0x2a: {  	p0 =	seq.s32 s5, $0x0;
	s5 =	sld [smem:$0x3FAE]  }
0x2b: {  	s6 =	sld [smem:$0x3FAF]  }
0x2c: {  	s7 =	sld [smem:$0x3FB0]  }
0x2d: {  	s3 =	simm.s32 $0x108;
	s8 =	sld [smem:$0x3FB1]  }
0x2e: {  	s3 =	simm.s32 @!p0 $0x1082;
	s9 =	sld [smem:$0x3FB2]  }
0x2f: {  	lr =	sadd.s32 s0, s3;
	s0 =	sld [smem:$0x3FA9]  }
0x30: {  	s3 =	sld [smem:$0x3FAC]  }
0x31: {  	[smem:$0x3FB5] =	sst s10  }
0x32: {  	s10 =	sld [smem:$0x3FB3];
	_ =	sdelay $0x3  }
0x33: {  	p0 =	seq.s32 s10, $0x1;
	s10 =	sld [smem:$0x3FB5];
	_ =	sdelay $0x3  }
0x34: {  	[smem:$0x3FB5] =	sst s10  }
0x35: {  	s10 =	sld [smem:$0x3FB4];
	_ =	sdelay $0x3  }
0x36: {  	p1 =	seq.s32 s10, $0x1;
	s10 =	sld [smem:$0x3FB5];
	_ =	sdelay $0x3  }
0x37: {  	[smem:$0x3FB5] =	sst s10  }
0x38: {  	s10 =	sld [smem:$0x3FB6]  }
0x39: {  	_ = 	snop;
	(pc) =	sbr.ind lr, $3  }
0x3a: {  	_ = 	snop  }
0x3b: {  	_ = 	snop  }
0x3c: {  	p2 =	seq.s32 s10, $0x1;
	s10 =	sld [smem:$0x3FB5]  }
0x3d: {  	_ =	shalt  }
0x3e: {  	_ =	shalt  }
0x3f: {  	_ =	shalt  }
0x40: {  	_ =	shalt  }
0x41: {  	_ =	shalt  }
0x42: {  	_ =	shalt  }
0x43: {  	_ =	shalt  }
0x44: {  	_ =	shalt  }
0x45: {  	_ =	shalt  }
0x46: {  	_ =	shalt  }
0x47: {  	_ =	shalt  }
0x48: {  	_ =	shalt  }
0x49: {  	_ =	shalt  }
0x4a: {  	_ =	shalt  }
0x4b: {  	_ =	shalt  }
0x4c: {  	_ =	shalt  }
0x4d: {  	_ =	shalt  }
0x4e: {  	_ =	shalt  }
0x4f: {  	_ =	shalt  }
0x50: {  	_ =	shalt  }
0x51: {  	_ =	shalt  }
0x52: {  	_ =	shalt  }
0x53: {  	_ =	shalt  }
0x54: {  	_ =	shalt  }
0x55: {  	_ =	shalt  }
0x56: {  	_ =	shalt  }
0x57: {  	_ =	shalt  }
0x58: {  	_ =	shalt  }
0x59: {  	_ =	shalt  }
0x5a: {  	_ =	shalt  }
0x5b: {  	_ =	shalt  }
0x5c: {  	_ =	shalt  }
0x5d: {  	_ =	shalt  }
0x5e: {  	_ =	shalt  }
0x5f: {  	_ =	shalt  }
0x60: {  	_ =	shalt  }
0x61: {  	_ =	shalt  }
0x62: {  	_ =	shalt  }
0x63: {  	_ =	shalt  }
0x64: {  	_ =	shalt  }
0x65: {  	_ =	shalt  }
0x66: {  	_ =	shalt  }
0x67: {  	_ =	shalt  }
0x68: {  	_ =	shalt  }
0x69: {  	_ =	shalt  }
0x6a: {  	_ =	shalt  }
0x6b: {  	_ =	shalt  }
0x6c: {  	_ =	shalt  }
0x6d: {  	_ =	shalt  }
0x6e: {  	_ =	shalt  }
0x6f: {  	_ =	shalt  }
0x70: {  	_ =	shalt  }
0x71: {  	_ =	shalt  }
0x72: {  	_ =	shalt  }
0x73: {  	_ =	shalt  }
0x74: {  	_ =	shalt  }
0x75: {  	_ =	shalt  }
0x76: {  	_ =	shalt  }
0x77: {  	_ =	shalt  }
0x78: {  	_ =	shalt  }
0x79: {  	_ =	shalt  }
0x7a: {  	_ =	shalt  }
0x7b: {  	_ =	shalt  }
0x7c: {  	_ =	shalt  }
0x7d: {  	_ =	shalt  }
0x7e: {  	_ =	shalt  }
0x7f: {  	_ =	shalt  }
0x80: {  	_ =	shalt  }
0x81: {  	_ =	shalt  }
0x82: {  	_ =	shalt  }
0x83: {  	_ =	shalt  }
0x84: {  	_ =	shalt  }
0x85: {  	_ =	shalt  }
0x86: {  	_ =	shalt  }
0x87: {  	_ =	shalt  }
.Lfunc_end0:
.L_simem_size_0:
called_computation_lowered:
.L_overlay_start_0:
0x88: {  	s2 =	sld [smem:$0x3FD9]  }
0x89: {  	s3 =	sld [smem:$0x3FFE];
	_ =	sdelay $0x1  }
0x8a: {  	s1 =	srdreg.scid  }
0x8b: {  	s0 =	sand.u32 $0x1, s1  }
0x8c: {  	s17 =	sshll.u32 s0, $0xA;
	s2 =	sadd.s32 s3, s2  }
0x8d: {  	s2 =	sadd.s32 s2, s17  }
0x8e: {  	[smem:$0x3FC1] =	sst s2  }
0x8f: {  	_ = 	snop  }
0x90: {  	s2 =	sld [smem:$0x3FC9]  }
0x91: {  	s18 =	sld [smem:$0x3FC8]  }
0x92: {  	s4 =	sld [smem:$0x3FC6]  }
0x93: {  	s5 =	sld [smem:$0x3FC5]  }
0x94: {  	s6 =	sld [smem:$0x3FD0];
	(tm) =	ssettm $0x1  }
0x95: {  	s7 =	sld [smem:$0x3FFB];
	_ =	sdelay $0x3  }
0x96: {  	_ =	strace s7  }
0x97: {  	s7 =	sld [smem:$0x3FFC];
	_ =	sdelay $0x3  }
0x98: {  	_ =	strace s7  }
0x99: {  	s7 =	sld [smem:$0x3FFD];
	_ =	sdelay $0x3  }
0x9a: {  	_ =	strace s7  }
0x9b: {  	_ =	strace $0x8FFFFFFF  }
0x9c: {  	s19 =	sld [smem:$0x3FDB];
	_ =	sdelay $0x1  }
0x9d: {  	s8 =	simm.s32 $_scs_section_size  }
0x9e: {  	s9 =	simm.s32 $_size__tile_overlayer_lowered;
	s10 =	simm.s32 $_tile_overlayer_lowered  }
0x9f: {  	s22 =	simm.s32 $0x1BFF;
	s21 =	sshll.u32 s10, $0x1;
	s7 =	sadd.s32 s8, s19  }
0xa0: {  	s11 =	simm.s32 $0x0;
	s20 =	sshll.u32 s9, $0x1;
	s9 =	sadd.s32 s21, s7  }
0xa1: {  	[timem:s11], [sflag:s22] =	dma.local [hbm:s9], s20  }
0xa2: {  	_ =	swait.ge [sflag:s22], s20  }
0xa3: {  	s8 =	ssub.s32 $0x0, s20;
	[sflag:s22] =	ssyncset.done $0x0  }
0xa4: {  	[sflag:s22] =	ssyncadd.s32 s8;
	_ =	sdelay $0x1  }
0xa5: {  	s23 =	simm.s32 $0x1B8B  }
0xa6: {  	_ =	swait.ge [sflag:s23], $0x1  }
0xa7: {  	[sflag:s23] =	ssyncset.done $0x0  }
0xa8: {  	s25 =	simm.s32 $0x1B8E;
	s24 =	sld [smem:$0x3FFE];
	[sflag:s23] =	ssyncadd.s32 $0xFFFFFFFF  }
0xa9: {  	s26 =	simm.s32 $execute0_lowered;
	[smem:$0x3FD2] =	sst s25  }
0xaa: {  	s9 =	sshll.u32 s26, $0x1;
	_ =	strace $0x80000046;
	[dreg:$0x1] =	wrdreg $0xFFFFFFFF  }
0xab: {  	s28 =	simm.s32 $_size_execute0_lowered;
	s7 =	sadd.s32 s7, s9;
	[dreg:$0x0] =	wrdreg $0x0  }
0xac: {  	s9 =	sshll.u32 s28, $0x1;
	[dreg:$0x2] =	wrdreg s7  }
0xad: {  	[dreg:$0x3] =	wrdreg s9  }
0xae: {  	[dreg:$0x4] =	wrdreg $0xC0  }
0xaf: {  	_ =	task [dreg:s11], $0x5FFFF  }
0xb0: {  	[dreg:$0x1] =	wrdreg $0xFFFFFFFF  }
0xb1: {  	[dreg:$0x0] =	wrdreg $0x60  }
0xb2: {  	[dreg:$0x2] =	wrdreg s2  }
0xb3: {  	[dreg:$0x3] =	wrdreg s18  }
0xb4: {  	[dreg:$0x4] =	wrdreg s4  }
0xb5: {  	[dreg:$0x5] =	wrdreg s5  }
0xb6: {  	[dreg:$0x6] =	wrdreg s6  }
0xb7: {  	[dreg:$0x7] =	wrdreg s24  }
0xb8: {  	[dreg:$0x8] =	wrdreg $0x9  }
0xb9: {  	_ =	task.clear_ibuf [dreg:s11], $0x9FFFF;
	_ =	strace $0x90000046  }
0xba: {  	s29 =	simm.s32 $0x9;
	_ =	strace $0x80000048  }
0xbb: {  	_ =	swait.ge [sflag:s29], $0x1  }
0xbc: {  	[sflag:s29] =	ssyncadd.s32 $0xFFFFFFFF  }
0xbd: {  	_ =	strace $0x90000048  }
0xbe: {  	_ =	sfence  }
0xbf: {  	s30 =	sld [smem:$0x0];
	_ =	sdelay $0x2  }
0xc0: {  	s31 =	sshll.u32 s1, $0xD;
	s1 =	sshrl.u32 s1, $0x2  }
0xc1: {  	s3 =	sand.u32 $0x4000, s31;
	s1 =	sadd.s32 s1, s30  }
0xc2: {  	s0 =	sor.u32 s3, s0;
	s1 =	sshll.u32 s1, $0x11  }
0xc3: {  	s0 =	sor.u32 s1, s0  }
0xc4: {  	s0 =	sadd.s32 $0x8F2B, s0  }
0xc5: {  	[sflag:s0] =	ssyncadd.remote.s32 $0x1  }
0xc6: {  	_ =	sfence.sel $0xFFFF  }
0xc7: {  	[dreg:$0x0] =	wrdreg $0xFFFFFFFF;
	(pc) =	sbr.abs _section_cstart, $3  }
0xc8: {  	[dreg:$0x1] =	wrdreg $0xFFFFFFFF  }
0xc9: {  	_ =	task.clear_ibuf [dreg:s11], $0x2FFFF;
	_ =	strace $0x9FFFFFFF  }
0xca: {  	(tm) =	ssettm $0x7FFFFFFF  }
0xcb: {  	_ =	shalt  }
tec
execute0_lowered:
.L_overlay_start_1:
0x0: {  	(tag) =	ssettag $0x1  }
0x1: {  	s0 =	rddreg [dreg:$0x0]  }
0x2: {  	s2 =	rddreg [dreg:$0x1]  }
0x3: {  	s1 =	rddreg [dreg:$0x2]  }
0x4: {  	s3 =	rddreg [dreg:$0x4]  }
0x5: {  	s5 =	rddreg [dreg:$0x5]  }
0x6: {  	s4 =	srdreg.scid;
	s7 =	stileid.u32  }
0x7: {  	s13 =	simm.s32 $0x12400;
	s14 =	simm.s32 $0x4;
	s15 =	simm.s32 $0x80  }
0x8: {  	s16 =	simm.s32 $0x400;
	s17 =	simm.s32 $0x4400;
	s19 =	simm.s32 $0x8400  }
0x9: {  	s20 =	simm.s32 $0x180;
	s21 =	simm.s32 $0xC400;
	s22 =	simm.s32 $0x3  }
0xa: {  	s23 =	simm.s32 $0x1000;
	s24 =	simm.s32 $0x20000;
	s25 =	simm.s32 $0x10400  }
0xb: {  	s26 =	simm.s32 $0x1;
	s28 =	simm.s32 $0x2;
	s29 =	simm.s32 $0x0  }
0xc: {  	s6 =	sand.u32 $0x1, s4;
	s4 =	simm.s32 $0x0;
	s7 =	sshll.u32 s7, $0xA  }
0xd: {  	s8 =	sshll.u32 s6, $0x9;
	[smem:$0x7FF] =	sst s4;
	s6 =	ssub.s32 $0x2, s6  }
0xe: {  	s7 =	sor.u32 s8, s7;
	_ =	strace $0x80000047;
	s30 =	sshrl.u32 s6, $0x1  }
0xf: {  	s8 =	sadd.s32 s7, s5;
	s9 =	ssub.s32 s6, s30;
	s31 =	sshrl.u32 s7, $0x3  }
0x10: {  	s7 =	sshll.u32 s7, $0x4;
	s5 =	sadd.s32 s2, s31;
	s6 =	sadd.s32 s0, s31  }
0x11: {  	s7 =	sadd.s32 s3, s7;
	s8 =	sadd.s32 $0x1200, s8;
	s9 =	smax.u32 s9, $0x1  }
0x12: {  	s10 =	sadd.s32 $0x800, s7;
	s11 =	sadd.s32 $0x1000, s7;
	s12 =	sadd.s32 $0x1800, s7  }
.LBB2_1:
0x13: {  	s0 =	rddreg [dreg:$0x3]  }
0x14: {  	[tilespmem:s13], [sflag:$0x3] =	stream.linear.gather [hbm4b:s0+s4], $0x4000, $0x38;
	[tilespmem:$0x16400] =	vst v63  }
0x15: {  	s30 =	simm.s32 $0x200  }
0x16: {  	[tilespmem:s30], [sflag:$0x3] =	stream.linear.gather [hbm4b:s5+s4], $0x200, $0x38;
	[tilespmem:$0x16400] =	vst v63  }
0x17: {  	_ = 	snop  }
0x18: {  	[tilespmem:s4], [sflag:$0x4] =	stream.linear.gather [hbm4b:s6+s4], $0x200, $0x38;
	[tilespmem:$0x16400] =	vst v63  }
0x19: {  	_ =	swait.ge [sflag:s14], $0x200  }
0x1a: {  	[sflag:s14] =	ssyncset.done $0x0  }
0x1b: {  	[sflag:s14] =	ssyncadd.s32 $0xFFFFFE00  }
0x1c: {  	[tilespmem:s16], [sflag:$0x1] =	stream.indirect.gather [hbm4b:s1+s15], $0x80, s4, s15, $0xb8;
	[tilespmem:$0x16400] =	vst v63  }
0x1d: {  	_ = 	snop  }
0x1e: {  	[tilespmem:s17], [sflag:$0x1] =	stream.indirect.gather [hbm4b:s1+s15], $0x80, s15, s15, $0xb8;
	[tilespmem:$0x16400] =	vst v63  }
0x1f: {  	s2 =	simm.s32 $0x100  }
0x20: {  	[tilespmem:s19], [sflag:$0x1] =	stream.indirect.gather [hbm4b:s1+s15], $0x80, s2, s15, $0xb8;
	[tilespmem:$0x16400] =	vst v63  }
0x21: {  	_ = 	snop  }
0x22: {  	[tilespmem:s21], [sflag:$0x1] =	stream.indirect.gather [hbm4b:s1+s15], $0x80, s20, s15, $0xb8;
	[tilespmem:$0x16400] =	vst v63  }
0x23: {  	_ =	swait.ge [sflag:s22], $0x4000  }
0x24: {  	[sflag:s22] =	ssyncset.done $0x0  }
0x25: {  	[sflag:s22] =	ssyncadd.s32 $0xFFFFC000  }
0x26: {  	_ =	swait.ge [sflag:s22], $0x200  }
0x27: {  	[sflag:s22] =	ssyncset.done $0x0  }
0x28: {  	[sflag:s22] =	ssyncadd.s32 $0xFFFFFE00  }
0x29: {  	v0 =	vld [tilespmem:s30+$0x0];
	_ =	sdelay $0x4  }
0x2a: {  	v1 =	vshll.u32 v0, $0x3  }
0x2b: {  	v0 =	vand.u32 $0x7F, v0;
	v1 =	vand.u32 $0xFFFFFC00, v1  }
0x2c: {  	v0 =	vor.u32 v0, v1;
	_ =	sdelay $0x4  }
0x2d: {  	v1 =	vld.idx.msk [tilespmem:v0+s13+$0x0], $0xffff  }
0x2e: {  	v2 =	vor.u32 $0x80, v0;
	_ =	sdelay $0x1  }
0x2f: {  	s3 =	sand.u32 $0x70, s4;
	s2 =	sand.u32 $0xC00, s4  }
0x30: {  	s31 =	sor.u32 s3, s2  }
0x31: {  	[tilespmem:s31+$0x10400] =	vst v1  }
0x32: {  	v1 =	vld.idx.msk [tilespmem:v2+s13+$0x0], $0xffff  }
0x33: {  	v2 =	vor.u32 $0x100, v0;
	_ =	sdelay $0x2  }
0x34: {  	s0 =	sadd.s32 $0x10400, s31  }
0x35: {  	[tilespmem:s0+$0x80] =	vst v1  }
0x36: {  	v1 =	vld.idx.msk [tilespmem:v2+s13+$0x0], $0xffff  }
0x37: {  	v2 =	vor.u32 $0x180, v0;
	_ =	sdelay $0x3  }
0x38: {  	[tilespmem:s0+$0x100] =	vst v1  }
0x39: {  	v1 =	vld.idx.msk [tilespmem:v2+s13+$0x0], $0xffff  }
0x3a: {  	v2 =	vor.u32 $0x200, v0;
	_ =	sdelay $0x3  }
0x3b: {  	[tilespmem:s0+$0x180] =	vst v1  }
0x3c: {  	v1 =	vld.idx.msk [tilespmem:v2+s13+$0x0], $0xffff  }
0x3d: {  	v2 =	vor.u32 $0x280, v0;
	_ =	sdelay $0x3  }
0x3e: {  	[tilespmem:s0+$0x200] =	vst v1  }
0x3f: {  	v1 =	vld.idx.msk [tilespmem:v2+s13+$0x0], $0xffff  }
0x40: {  	v2 =	vor.u32 $0x300, v0;
	_ =	sdelay $0x3  }
0x41: {  	[tilespmem:s0+$0x280] =	vst v1  }
0x42: {  	v1 =	vld.idx.msk [tilespmem:v2+s13+$0x0], $0xffff  }
0x43: {  	v2 =	vor.u32 $0x380, v0;
	_ =	sdelay $0x3  }
0x44: {  	[tilespmem:s0+$0x300] =	vst v1  }
0x45: {  	v1 =	vld.idx.msk [tilespmem:v2+s13+$0x0], $0xffff  }
0x46: {  	v2 =	vadd.s32 $0x2000, v0;
	_ =	sdelay $0x1  }
0x47: {  	s18 =	sor.u32 s4, s4  }
0x48: {  	s0 =	sor.u32 $0x380, s18  }
0x49: {  	[tilespmem:s0+$0x10400] =	vst v1  }
0x4a: {  	v1 =	vld.idx.msk [tilespmem:v2+s13+$0x0], $0xffff  }
0x4b: {  	v2 =	vadd.s32 $0x2080, v0;
	_ =	sdelay $0x3  }
0x4c: {  	[tilespmem:s31+$0x11400] =	vst v1  }
0x4d: {  	v1 =	vld.idx.msk [tilespmem:v2+s13+$0x0], $0xffff  }
0x4e: {  	v2 =	vadd.s32 $0x2100, v0;
	_ =	sdelay $0x3  }
0x4f: {  	[tilespmem:s31+$0x11480] =	vst v1  }
0x50: {  	v1 =	vld.idx.msk [tilespmem:v2+s13+$0x0], $0xffff  }
0x51: {  	v2 =	vadd.s32 $0x2180, v0;
	_ =	sdelay $0x3  }
0x52: {  	[tilespmem:s31+$0x11500] =	vst v1  }
0x53: {  	v1 =	vld.idx.msk [tilespmem:v2+s13+$0x0], $0xffff  }
0x54: {  	v2 =	vadd.s32 $0x2200, v0;
	_ =	sdelay $0x3  }
0x55: {  	[tilespmem:s31+$0x11580] =	vst v1  }
0x56: {  	v1 =	vld.idx.msk [tilespmem:v2+s13+$0x0], $0xffff  }
0x57: {  	v2 =	vadd.s32 $0x2280, v0;
	_ =	sdelay $0x3  }
0x58: {  	[tilespmem:s31+$0x11600] =	vst v1  }
0x59: {  	v1 =	vld.idx.msk [tilespmem:v2+s13+$0x0], $0xffff  }
0x5a: {  	v2 =	vadd.s32 $0x2300, v0;
	_ =	sdelay $0x3  }
0x5b: {  	[tilespmem:s31+$0x11680] =	vst v1  }
0x5c: {  	v1 =	vld.idx.msk [tilespmem:v2+s13+$0x0], $0xffff  }
0x5d: {  	v0 =	vadd.s32 $0x2380, v0;
	_ =	sdelay $0x3  }
0x5e: {  	[tilespmem:s31+$0x11700] =	vst v1  }
0x5f: {  	s3 =	simm.s32 $0x0;
	s0 =	simm.s32 $0x10;
	v0 =	vld.idx.msk [tilespmem:v0+s13+$0x0], $0xffff  }
.LBB2_2:
0x60: {  	_ =	sdelay $0x3  }
0x61: {  	p0 =	sne.s32 s0, $0x1F0;
	s3 =	sadd.s32 $0x80, s3;
	s30 =	sadd.s32 $0x10, s30;
	[tilespmem:s31+$0x11780] =	vst v0  }
0x62: {  	s2 =	smov.u32 s0;
	s0 =	sadd.s32 $0x10, s0;
	v0 =	vld [tilespmem:s30+$0x0];
	_ =	sdelay $0x4  }
0x63: {  	v1 =	vshll.u32 v0, $0x3  }
0x64: {  	v0 =	vand.u32 $0x7F, v0;
	v1 =	vand.u32 $0xFFFFFC00, v1  }
0x65: {  	v0 =	vor.u32 v0, v1;
	_ =	sdelay $0x4  }
0x66: {  	v1 =	vld.idx.msk [tilespmem:v0+s13+$0x0], $0xffff;
	_ =	sdelay $0x1  }
0x67: {  	v2 =	vor.u32 $0x80, v0;
	_ =	sdelay $0x1  }
0x68: {  	s18 =	sand.u32 $0xC00, s3;
	s31 =	sand.u32 $0x70, s2  }
0x69: {  	s31 =	sor.u32 s31, s18  }
0x6a: {  	[tilespmem:s31+$0x10400] =	vst v1  }
0x6b: {  	v1 =	vld.idx.msk [tilespmem:v2+s13+$0x0], $0xffff;
	_ =	sdelay $0x1  }
0x6c: {  	v2 =	vor.u32 $0x100, v0;
	_ =	sdelay $0x2  }
0x6d: {  	s18 =	sadd.s32 $0x10400, s31  }
0x6e: {  	[tilespmem:s18+$0x80] =	vst v1  }
0x6f: {  	v1 =	vld.idx.msk [tilespmem:v2+s13+$0x0], $0xffff;
	_ =	sdelay $0x1  }
0x70: {  	v2 =	vor.u32 $0x180, v0;
	_ =	sdelay $0x3  }
0x71: {  	[tilespmem:s18+$0x100] =	vst v1  }
0x72: {  	v1 =	vld.idx.msk [tilespmem:v2+s13+$0x0], $0xffff;
	_ =	sdelay $0x1  }
0x73: {  	v2 =	vor.u32 $0x200, v0;
	_ =	sdelay $0x3  }
0x74: {  	[tilespmem:s18+$0x180] =	vst v1  }
0x75: {  	v1 =	vld.idx.msk [tilespmem:v2+s13+$0x0], $0xffff;
	_ =	sdelay $0x1  }
0x76: {  	v2 =	vor.u32 $0x280, v0;
	_ =	sdelay $0x3  }
0x77: {  	[tilespmem:s18+$0x200] =	vst v1  }
0x78: {  	v1 =	vld.idx.msk [tilespmem:v2+s13+$0x0], $0xffff;
	_ =	sdelay $0x1  }
0x79: {  	v2 =	vor.u32 $0x300, v0;
	_ =	sdelay $0x3  }
0x7a: {  	[tilespmem:s18+$0x280] =	vst v1  }
0x7b: {  	v1 =	vld.idx.msk [tilespmem:v2+s13+$0x0], $0xffff;
	_ =	sdelay $0x1  }
0x7c: {  	v2 =	vor.u32 $0x380, v0;
	_ =	sdelay $0x3  }
0x7d: {  	[tilespmem:s18+$0x300] =	vst v1  }
0x7e: {  	v1 =	vld.idx.msk [tilespmem:v2+s13+$0x0], $0xffff;
	_ =	sdelay $0x1  }
0x7f: {  	v2 =	vadd.s32 $0x2000, v0;
	_ =	sdelay $0x1  }
0x80: {  	s2 =	sor.u32 s3, s2  }
0x81: {  	s2 =	sor.u32 $0x380, s2  }
0x82: {  	[tilespmem:s2+$0x10400] =	vst v1  }
0x83: {  	v1 =	vld.idx.msk [tilespmem:v2+s13+$0x0], $0xffff;
	_ =	sdelay $0x1  }
0x84: {  	v2 =	vadd.s32 $0x2080, v0;
	_ =	sdelay $0x3  }
0x85: {  	[tilespmem:s31+$0x11400] =	vst v1  }
0x86: {  	v1 =	vld.idx.msk [tilespmem:v2+s13+$0x0], $0xffff;
	_ =	sdelay $0x1  }
0x87: {  	v2 =	vadd.s32 $0x2100, v0;
	_ =	sdelay $0x3  }
0x88: {  	[tilespmem:s31+$0x11480] =	vst v1  }
0x89: {  	v1 =	vld.idx.msk [tilespmem:v2+s13+$0x0], $0xffff;
	_ =	sdelay $0x1  }
0x8a: {  	v2 =	vadd.s32 $0x2180, v0;
	_ =	sdelay $0x3  }
0x8b: {  	[tilespmem:s31+$0x11500] =	vst v1  }
0x8c: {  	v1 =	vld.idx.msk [tilespmem:v2+s13+$0x0], $0xffff;
	_ =	sdelay $0x1  }
0x8d: {  	v2 =	vadd.s32 $0x2200, v0;
	_ =	sdelay $0x3  }
0x8e: {  	[tilespmem:s31+$0x11580] =	vst v1  }
0x8f: {  	v1 =	vld.idx.msk [tilespmem:v2+s13+$0x0], $0xffff;
	_ =	sdelay $0x1  }
0x90: {  	v2 =	vadd.s32 $0x2280, v0;
	_ =	sdelay $0x3  }
0x91: {  	[tilespmem:s31+$0x11600] =	vst v1  }
0x92: {  	v1 =	vld.idx.msk [tilespmem:v2+s13+$0x0], $0xffff;
	_ =	sdelay $0x1  }
0x93: {  	v2 =	vadd.s32 $0x2300, v0;
	_ =	sdelay $0x3  }
0x94: {  	[tilespmem:s31+$0x11680] =	vst v1  }
0x95: {  	v1 =	vld.idx.msk [tilespmem:v2+s13+$0x0], $0xffff;
	_ =	sdelay $0x1  }
0x96: {  	v0 =	vadd.s32 $0x2380, v0  }
.Ltmp0:
0x97: {  	(pc) =	sbr.rel @p0 .LBB2_2-.Ltmp0, $3  }
0x98: {  	_ =	sdelay $0x1  }
0x99: {  	[tilespmem:s31+$0x11700] =	vst v1  }
0x9a: {  	v0 =	vld.idx.msk [tilespmem:v0+s13+$0x0], $0xffff  }
0x9b: {  	_ =	sdelay $0x3  }
0x9c: {  	[tilespmem:s31+$0x11780] =	vst v0  }
0x9d: {  	[hbm4b:s8+s23] =	stream.strided.scatter [tilespmem:s25], [sflag:$0x3], $0x2000, s24, s23, $0x38;
	[tilespmem:$0x16400] =	vst v63  }
0x9e: {  	_ =	swait.ge [sflag:s26], $0x4000  }
0x9f: {  	[sflag:s26] =	ssyncset.done $0x0  }
0xa0: {  	[sflag:s26] =	ssyncadd.s32 $0xFFFFC000  }
0xa1: {  	[hbm4b:s7+s4] =	stream.linear.scatter [tilespmem:s16], [sflag:$0x2], $0x4000, $0x38;
	[tilespmem:$0x16400] =	vst v63  }
0xa2: {  	_ =	swait.ge [sflag:s26], $0x4000  }
0xa3: {  	[sflag:s26] =	ssyncset.done $0x0  }
0xa4: {  	[sflag:s26] =	ssyncadd.s32 $0xFFFFC000  }
0xa5: {  	[hbm4b:s10+s4] =	stream.linear.scatter [tilespmem:s17], [sflag:$0x2], $0x4000, $0x38;
	[tilespmem:$0x16400] =	vst v63  }
0xa6: {  	_ =	swait.ge [sflag:s26], $0x4000  }
0xa7: {  	[sflag:s26] =	ssyncset.done $0x0  }
0xa8: {  	[sflag:s26] =	ssyncadd.s32 $0xFFFFC000  }
0xa9: {  	[hbm4b:s11+s4] =	stream.linear.scatter [tilespmem:s19], [sflag:$0x2], $0x4000, $0x38;
	[tilespmem:$0x16400] =	vst v63  }
0xaa: {  	_ =	swait.ge [sflag:s26], $0x4000  }
0xab: {  	[sflag:s26] =	ssyncset.done $0x0  }
0xac: {  	[sflag:s26] =	ssyncadd.s32 $0xFFFFC000  }
0xad: {  	[hbm4b:s12+s4] =	stream.linear.scatter [tilespmem:s21], [sflag:$0x2], $0x4000, $0x38;
	[tilespmem:$0x16400] =	vst v63  }
0xae: {  	_ =	swait.ge [sflag:s28], $0x4000  }
0xaf: {  	[sflag:s28] =	ssyncset.done $0x0  }
0xb0: {  	[sflag:s28] =	ssyncadd.s32 $0xFFFFC000  }
0xb1: {  	_ =	swait.ge [sflag:s28], $0x4000  }
0xb2: {  	[sflag:s28] =	ssyncset.done $0x0  }
0xb3: {  	[sflag:s28] =	ssyncadd.s32 $0xFFFFC000  }
0xb4: {  	_ =	swait.ge [sflag:s28], $0x4000  }
0xb5: {  	[sflag:s28] =	ssyncset.done $0x0  }
0xb6: {  	s29 =	sadd.s32 $0x1, s29;
	[sflag:s28] =	ssyncadd.s32 $0xFFFFC000  }
0xb7: {  	p0 =	sne.s32 s29, s9;
	_ =	swait.ge [sflag:s28], $0x4000  }
.Ltmp1:
0xb8: {  	[sflag:s28] =	ssyncset.done $0x0;
	(pc) =	sbr.rel @p0 .LBB2_1-.Ltmp1, $4  }
0xb9: {  	[sflag:s28] =	ssyncadd.s32 $0xFFFFC000  }
0xba: {  	_ =	swait.ge [sflag:s22], $0x2000  }
0xbb: {  	[sflag:s22] =	ssyncset.done $0x0  }
0xbc: {  	[sflag:s22] =	ssyncadd.s32 $0xFFFFE000  }
0xbd: {  	_ =	sfence.sel $0x180000  }
0xbe: {  	[bflag:$0x0] =	sbarrier.arrive $0xFFFF  }
0xbf: {  	_ =	strace $0x90000047  }
0xc0: {  	s0 =	stileid.u32;
	[bflag:$0x2] =	sbarrier.arrive $0xFFFF  }
0xc1: {  	p0 =	sne.s32 s0, $0x0;
	s0 =	rddreg [dreg:$0x6]  }
0xc2: {  	s0 =	sadd.s32 @!p0 $0x100000, s0  }
0xc3: {  	[sflag:s0] =	ssyncadd.tile.s32 @!p0 $0x1;
	_ =	shalt  }
.Lfunc_end2:
_tile_overlayer_lowered:
.L_overlay_start_2:
0xc4: {  	(tag) =	ssettag $0x2  }
0xc5: {  	s0 =	rddreg [dreg:$0x0];
	s2 =	stileid.u32  }
0xc6: {  	s1 =	rddreg [dreg:$0x1];
	p0 =	sne.s32 s2, $0x0  }
0xc7: {  	s3 =	rddreg [dreg:$0x2];
	[bflag:$0x3] =	sbarrier.arrive $0xFFFF;
	s2 =	simm.s32 @!p0 $0x1C04  }
0xc8: {  	[timem:s3], [sflag:s2] =	dma.local @!p0 [hbm:s0], s1  }
0xc9: {  	s0 =	simm.s32 @!p0 $0x4  }
0xca: {  	_ =	swait.ge @!p0 [sflag:s0], s1  }
0xcb: {  	s1 =	ssub.s32 @!p0 $0x0, s1;
	[sflag:s0] =	ssyncset.done @!p0 $0x0  }
0xcc: {  	[sflag:s0] =	ssyncadd.s32 @!p0 s1  }
0xcd: {  	[bflag:$0x3] =	sbarrier.arrive $0xFFFF  }
0xce: {  	_ =	shalt  }

</sc_bundles>
